<compile_context>
chip_gen: v7x
topology: tpu7x:2x2x1
jax: 0.10.2.dev20260603
libtpu: 0.0.44.dev20260713+nightly
codegen_flags: <defaults>
</compile_context>

<pallas_src>
import functools

import numpy as np
import jax
import jax.numpy as jnp
from jax import lax
from jax.experimental import pallas as pl
from jax.experimental.pallas import tpu as pltpu
from jax.experimental.pallas import tpu_sc as plsc

_B, _S = 16, 4096
_LANES = 16
_NVEC = _S // _LANES
_RATE = 0.1
_SEED = 42


def _rotl(x, r):
    return ((x << np.uint32(r)) | (x >> np.uint32(32 - r))).astype(np.uint32)


def _threefry2x32(k0, k1, x0, x1):
    x0 = x0.astype(np.uint32).copy()
    x1 = x1.astype(np.uint32).copy()
    ks0, ks1 = np.uint32(k0), np.uint32(k1)
    ks2 = np.uint32(ks0 ^ ks1 ^ np.uint32(0x1BD11BDA))
    rot0, rot1 = (13, 15, 26, 6), (17, 29, 16, 24)
    x0 = (x0 + ks0).astype(np.uint32)
    x1 = (x1 + ks1).astype(np.uint32)
    inj = [(ks1, ks2), (ks2, ks0), (ks0, ks1), (ks1, ks2), (ks2, ks0)]
    for r in range(5):
        for rot in rot0 if r % 2 == 0 else rot1:
            x0 = (x0 + x1).astype(np.uint32)
            x1 = _rotl(x1, rot)
            x1 = (x1 ^ x0).astype(np.uint32)
        a, b = inj[r]
        x0 = (x0 + a).astype(np.uint32)
        x1 = (x1 + b + np.uint32(r + 1)).astype(np.uint32)
    return x0, x1


def _np_bits(key2, n):
    lo = np.arange(n, dtype=np.uint32)
    o0, o1 = _threefry2x32(key2[0], key2[1], np.zeros(n, np.uint32), lo)
    return (o0 ^ o1).astype(np.uint32)


def _np_uniform(key2, shape):
    bits = _np_bits(key2, int(np.prod(shape)))
    fl = ((bits >> np.uint32(9)) | np.uint32(0x3F800000)).view(np.float32)
    return (fl - np.float32(1.0)).reshape(shape)


def _keep_mask():
    o0, o1 = _threefry2x32(0, _SEED, np.zeros(2, np.uint32),
                           np.arange(2, dtype=np.uint32))
    k1, k2 = (o0[0], o1[0]), (o0[1], o1[1])
    u = _np_uniform(k1, (_B, _S))
    num = (u < np.float32(_RATE)).sum(axis=1).astype(np.int64)
    skeys = _np_uniform(k2, (_B, _S))
    perm = np.argsort(skeys, axis=1, kind="stable")
    ranks = np.argsort(perm, axis=1, kind="stable")
    keep = ranks >= num[:, None]
    return keep.astype(np.int32)


_KEEP = _keep_mask()
_TAIL0 = (int(_KEEP.sum(axis=1).min()) // _LANES) * _LANES

_mesh = plsc.VectorSubcoreMesh(core_axis_name="c", subcore_axis_name="s")


@functools.partial(
    pl.kernel,
    mesh=_mesh,
    compiler_params=pltpu.CompilerParams(
        needs_layout_passes=False,
        disable_bounds_checks=True,
        disable_semaphore_checks=True,
        skip_device_barrier=True,
    ),
    out_type=jax.ShapeDtypeStruct((_B, _S), jnp.int32),
    scratch_types=[
        pltpu.VMEM((_S,), jnp.int32),
        pltpu.VMEM((_S,), jnp.int32),
        pltpu.VMEM((_S,), jnp.int32),
        pltpu.SemaphoreType.DMA,
    ],
)
def _compact(tok_hbm, msk_hbm, zero_hbm, out_hbm,
             tok_v, msk_v, out_v, sem):
    wid = lax.axis_index("s") * 2 + lax.axis_index("c")

    @pl.when(wid < _B)
    def _():
        c1 = pltpu.async_copy(tok_hbm.at[wid], tok_v, sem)
        c2 = pltpu.async_copy(msk_hbm.at[wid], msk_v, sem)
        c3 = pltpu.async_copy(zero_hbm, out_v.at[pl.ds(_TAIL0, _S - _TAIL0)],
                              sem)
        c1.wait()
        c2.wait()
        c3.wait()

        @plsc.parallel_loop(0, _NVEC, step=1, unroll=16,
                            carry=jnp.zeros((_LANES,), jnp.int32))
        def total(i, carry):
            sl = pl.ds(i * _LANES, _LANES)
            tok = tok_v[sl]
            m = msk_v[sl]
            mb = m != 0
            incl = plsc.cumsum(m)
            pos = carry + (incl - m)
            plsc.store_scatter(out_v, [pos], tok, mask=mb)
            return carry + plsc.all_reduce_population_count(mb)
        del total
        pltpu.sync_copy(out_v, out_hbm.at[wid])


_ZROW = np.zeros((_S - _TAIL0,), np.int32)
_LENS = _KEEP.sum(axis=1).astype(np.int32)


def kernel(inputs):
    out = _compact(inputs, jnp.asarray(_KEEP), jnp.asarray(_ZROW))
    return out, jnp.asarray(_LENS)

# --- scband reference (transcript-rebuilt; emitter-appended) ---
"""Pipeline reference for scband-random-deletion-32478542692797 (READ-ONLY COPY).

The authoritative reference and input builder live on the scoring server;
editing this copy changes nothing except your own understanding.
"""

import jax, jax.numpy as jnp
import numpy as np

RATE = 0.1
SEED = 42

def setup_inputs(seed: int = 0) -> dict:
    key = jax.random.key(seed)
    inputs = jax.random.randint(key, (16, 4096), 0, 32000, dtype=jnp.int32)
    return {"inputs": inputs}

def reference(inputs):
    # Faithful jax translation of keras_nlp RandomDeletion.call for a dense
    # rank-2 int token tensor (no skip_list/skip_fn, max_deletions=None).
    # 1) num_to_select ~ Binomial(n=row_length, p=rate)  (sum of bernoullis)
    # 2) shuffle positions per row, delete the first num_to_select of the shuffle
    # 3) return remaining tokens left-compacted (ragged -> padded dense) + row lengths
    B, S = inputs.shape
    key = jax.random.key(SEED)
    k1, k2 = jax.random.split(key)
    # binomial draw per row via bernoulli sum (identical distribution to
    # tf.random.stateless_binomial(counts=S, probs=rate))
    u = jax.random.uniform(k1, (B, S))
    num_to_select = jnp.sum((u < RATE).astype(jnp.int32), axis=1)
    # per-row random shuffle of positions (tf.random.shuffle per row via map_fn)
    shuffle_keys = jax.random.uniform(k2, (B, S))
    perm = jnp.argsort(shuffle_keys, axis=1)          # shuffled position order
    ranks = jnp.argsort(perm, axis=1)                 # rank of each position in the shuffle
    # positions whose shuffle-rank < num_to_select are selected for deletion
    delete_mask = ranks < num_to_select[:, None]
    keep_mask = jnp.logical_not(delete_mask)
    # ragged boolean_mask: compact kept tokens to the left (stable sort on delete flag)
    order = jnp.argsort(delete_mask.astype(jnp.int32), axis=1)
    out = jnp.take_along_axis(inputs, order, axis=1)
    lengths = jnp.sum(keep_mask.astype(jnp.int32), axis=1)
    pos = jnp.arange(S)[None, :]
    out = jnp.where(pos < lengths[:, None], out, 0)
    return out, lengths

if __name__ == "__main__":
    import jax
    _d = setup_inputs()
    print(jax.jit(kernel)(*tuple(_d.values())))

</pallas_src>

<mosaic_0001>
#map = affine_map<(d0, d1) -> (0, 0)>
#map1 = affine_map<(d0, d1) -> (0)>
module attributes {stable_mosaic.version = 14 : i64} {
  func.func @_compact(%arg0: i32, %arg1: i32, %arg2: memref<16x4096xi32, #tpu.memory_space<hbm>>, %arg3: memref<16x4096xi32, #tpu.memory_space<hbm>>, %arg4: memref<448xi32, #tpu.memory_space<hbm>>, %arg5: memref<16x4096xi32, #tpu.memory_space<hbm>>, %arg6: memref<4096xi32, #tpu.memory_space<vmem>>, %arg7: memref<4096xi32, #tpu.memory_space<vmem>>, %arg8: memref<4096xi32, #tpu.memory_space<vmem>>, %arg9: memref<!tpu.dma_semaphore, #tpu.memory_space<semaphore_mem>>) attributes {dimension_semantics = [#tpu.dimension_semantics<core_parallel>, #tpu.dimension_semantics<subcore_parallel>], iteration_bounds = array<i64: 2, 16>, scalar_prefetch = 0 : i64, scratch_operands = 4 : i64, tpu.core_type = #tpu.core_type<sc_vector_subcore>, window_params = [{transform_indices = #map}, {transform_indices = #map}, {transform_indices = #map1}, {transform_indices = #map}]} {
    %mul3A = arith.constant 2 : i32
    %mul3A_0 = arith.muli %arg1, %mul3A : i32
    %add3A = arith.addi %mul3A_0, %arg0 : i32
    %lt3A = arith.constant 16 : i32
    %lt3A_1 = arith.cmpi slt, %add3A, %lt3A : i32
    %convert_element_type3A = arith.extui %lt3A_1 : i1 to i32
    %cond3A = arith.constant 0 : i32
    %cond3A_2 = arith.cmpi ne, %convert_element_type3A, %cond3A : i32
    scf.if %cond3A_2 {
      %dma_start3A = arith.constant 0 : i32
      %dma_start3A_3 = tpu.memref_slice %arg2[%add3A, %dma_start3A] : memref<16x4096xi32, #tpu.memory_space<hbm>> -> memref<1x4096xi32, #tpu.memory_space<hbm>>
      %dma_start3A_4 = tpu.memref_squeeze %dma_start3A_3 : memref<1x4096xi32, #tpu.memory_space<hbm>> -> memref<4096xi32, #tpu.memory_space<hbm>>
      %dma_start3A_5 = arith.constant 0 : i32
      %dma_start3A_6 = tpu.memref_slice %arg2[%add3A, %dma_start3A_5] : memref<16x4096xi32, #tpu.memory_space<hbm>> -> memref<1x4096xi32, #tpu.memory_space<hbm>>
      %dma_start3A_7 = tpu.memref_squeeze %dma_start3A_6 : memref<1x4096xi32, #tpu.memory_space<hbm>> -> memref<4096xi32, #tpu.memory_space<hbm>>
      tpu.enqueue_dma source(%dma_start3A_7 : memref<4096xi32, #tpu.memory_space<hbm>>) target(%arg6 : memref<4096xi32, #tpu.memory_space<vmem>>) target_semaphore(%arg9 : memref<!tpu.dma_semaphore, #tpu.memory_space<semaphore_mem>>)
      %dma_start3A_8 = arith.constant 0 : i32
      %dma_start3A_9 = tpu.memref_slice %arg3[%add3A, %dma_start3A_8] : memref<16x4096xi32, #tpu.memory_space<hbm>> -> memref<1x4096xi32, #tpu.memory_space<hbm>>
      %dma_start3A_10 = tpu.memref_squeeze %dma_start3A_9 : memref<1x4096xi32, #tpu.memory_space<hbm>> -> memref<4096xi32, #tpu.memory_space<hbm>>
      %dma_start3A_11 = arith.constant 0 : i32
      %dma_start3A_12 = tpu.memref_slice %arg3[%add3A, %dma_start3A_11] : memref<16x4096xi32, #tpu.memory_space<hbm>> -> memref<1x4096xi32, #tpu.memory_space<hbm>>
      %dma_start3A_13 = tpu.memref_squeeze %dma_start3A_12 : memref<1x4096xi32, #tpu.memory_space<hbm>> -> memref<4096xi32, #tpu.memory_space<hbm>>
      tpu.enqueue_dma source(%dma_start3A_13 : memref<4096xi32, #tpu.memory_space<hbm>>) target(%arg7 : memref<4096xi32, #tpu.memory_space<vmem>>) target_semaphore(%arg9 : memref<!tpu.dma_semaphore, #tpu.memory_space<semaphore_mem>>)
      %dma_start3A_14 = arith.constant 3648 : i32
      %dma_start3A_15 = tpu.memref_slice %arg8[%dma_start3A_14] : memref<4096xi32, #tpu.memory_space<vmem>> -> memref<448xi32, #tpu.memory_space<vmem>>
      %dma_start3A_16 = arith.constant 3648 : i32
      %dma_start3A_17 = tpu.memref_slice %arg8[%dma_start3A_16] : memref<4096xi32, #tpu.memory_space<vmem>> -> memref<448xi32, #tpu.memory_space<vmem>>
      tpu.enqueue_dma source(%arg4 : memref<448xi32, #tpu.memory_space<hbm>>) target(%dma_start3A_17 : memref<448xi32, #tpu.memory_space<vmem>>) target_semaphore(%arg9 : memref<!tpu.dma_semaphore, #tpu.memory_space<semaphore_mem>>)
      %dma_wait3A = arith.constant 0 : i32
      %dma_wait3A_18 = tpu.memref_slice %arg2[%add3A, %dma_wait3A] : memref<16x4096xi32, #tpu.memory_space<hbm>> -> memref<1x4096xi32, #tpu.memory_space<hbm>>
      %dma_wait3A_19 = tpu.memref_squeeze %dma_wait3A_18 : memref<1x4096xi32, #tpu.memory_space<hbm>> -> memref<4096xi32, #tpu.memory_space<hbm>>
      %dma_wait3A_20 = arith.constant 0 : i32
      %dma_wait3A_21 = tpu.memref_slice %arg2[%add3A, %dma_wait3A_20] : memref<16x4096xi32, #tpu.memory_space<hbm>> -> memref<1x4096xi32, #tpu.memory_space<hbm>>
      %dma_wait3A_22 = tpu.memref_squeeze %dma_wait3A_21 : memref<1x4096xi32, #tpu.memory_space<hbm>> -> memref<4096xi32, #tpu.memory_space<hbm>>
      tpu.wait_dma2 semaphore(%arg9 : memref<!tpu.dma_semaphore, #tpu.memory_space<semaphore_mem>>) src(%dma_wait3A_22 : memref<4096xi32, #tpu.memory_space<hbm>>) dst(%arg6 : memref<4096xi32, #tpu.memory_space<vmem>>)
      %dma_wait3A_23 = arith.constant 0 : i32
      %dma_wait3A_24 = tpu.memref_slice %arg3[%add3A, %dma_wait3A_23] : memref<16x4096xi32, #tpu.memory_space<hbm>> -> memref<1x4096xi32, #tpu.memory_space<hbm>>
      %dma_wait3A_25 = tpu.memref_squeeze %dma_wait3A_24 : memref<1x4096xi32, #tpu.memory_space<hbm>> -> memref<4096xi32, #tpu.memory_space<hbm>>
      %dma_wait3A_26 = arith.constant 0 : i32
      %dma_wait3A_27 = tpu.memref_slice %arg3[%add3A, %dma_wait3A_26] : memref<16x4096xi32, #tpu.memory_space<hbm>> -> memref<1x4096xi32, #tpu.memory_space<hbm>>
      %dma_wait3A_28 = tpu.memref_squeeze %dma_wait3A_27 : memref<1x4096xi32, #tpu.memory_space<hbm>> -> memref<4096xi32, #tpu.memory_space<hbm>>
      tpu.wait_dma2 semaphore(%arg9 : memref<!tpu.dma_semaphore, #tpu.memory_space<semaphore_mem>>) src(%dma_wait3A_28 : memref<4096xi32, #tpu.memory_space<hbm>>) dst(%arg7 : memref<4096xi32, #tpu.memory_space<vmem>>)
      %dma_wait3A_29 = arith.constant 3648 : i32
      %dma_wait3A_30 = tpu.memref_slice %arg8[%dma_wait3A_29] : memref<4096xi32, #tpu.memory_space<vmem>> -> memref<448xi32, #tpu.memory_space<vmem>>
      %dma_wait3A_31 = arith.constant 3648 : i32
      %dma_wait3A_32 = tpu.memref_slice %arg8[%dma_wait3A_31] : memref<4096xi32, #tpu.memory_space<vmem>> -> memref<448xi32, #tpu.memory_space<vmem>>
      tpu.wait_dma2 semaphore(%arg9 : memref<!tpu.dma_semaphore, #tpu.memory_space<semaphore_mem>>) src(%arg4 : memref<448xi32, #tpu.memory_space<hbm>>) dst(%dma_wait3A_32 : memref<448xi32, #tpu.memory_space<vmem>>)
      %broadcast_in_dim3A = arith.constant 0 : i32
      %broadcast_in_dim3A_33 = vector.broadcast %broadcast_in_dim3A : i32 to vector<16xi32>
      %parallel_loop3A = arith.constant 0 : i32
      %parallel_loop3A_34 = arith.constant 256 : i32
      %parallel_loop3A_35 = arith.constant 1 : i32
      %parallel_loop3A_36 = scf.for %parallel_loop3A_37 = %parallel_loop3A to %parallel_loop3A_34 step %parallel_loop3A_35 iter_args(%parallel_loop3A_38 = %broadcast_in_dim3A_33) -> (vector<16xi32>)  : i32 {
        %parallel_loop3A_39 = arith.constant 16 : i32
        %parallel_loop3A_40 = arith.muli %parallel_loop3A_37, %parallel_loop3A_39 : i32
        %parallel_loop3A_41 = arith.index_cast %parallel_loop3A_40 : i32 to index
        %parallel_loop3A_42 = tpu.vector_load %arg6[%parallel_loop3A_41] {strides = array<i32>} : memref<4096xi32, #tpu.memory_space<vmem>>, vector<16xi32>,
        %parallel_loop3A_43 = arith.index_cast %parallel_loop3A_40 : i32 to index
        %parallel_loop3A_44 = tpu.vector_load %arg7[%parallel_loop3A_43] {strides = array<i32>} : memref<4096xi32, #tpu.memory_space<vmem>>, vector<16xi32>,
        %parallel_loop3A_45 = arith.constant 0 : i32
        %parallel_loop3A_46 = vector.broadcast %parallel_loop3A_45 : i32 to vector<16xi32>
        %parallel_loop3A_47 = arith.cmpi ne, %parallel_loop3A_44, %parallel_loop3A_46 : vector<16xi32>
        %parallel_loop3A_48 = arith.constant true
        %parallel_loop3A_49 = vector.broadcast %parallel_loop3A_48 : i1 to vector<16xi1>
        %parallel_loop3A_50 = tpu.scan <sum>, %parallel_loop3A_44 masked %parallel_loop3A_49 : vector<16xi32>, vector<16xi1> -> vector<16xi32>
        %parallel_loop3A_51 = arith.subi %parallel_loop3A_50, %parallel_loop3A_44 : vector<16xi32>
        %parallel_loop3A_52 = arith.addi %parallel_loop3A_38, %parallel_loop3A_51 : vector<16xi32>
        tpu.vector_store_idx %arg8[%parallel_loop3A_52], %parallel_loop3A_42 masked %parallel_loop3A_47 : memref<4096xi32, #tpu.memory_space<vmem>>[vector<16xi32>], vector<16xi32>, vector<16xi1>
        %parallel_loop3A_53 = tpu.all_reduce %parallel_loop3A_47 {dim = 0 : i64, kind = #tpu.reduction_kind<sum>} : vector<16xi1> -> vector<16xi32>
        %parallel_loop3A_54 = arith.addi %parallel_loop3A_38, %parallel_loop3A_53 : vector<16xi32>
        scf.yield %parallel_loop3A_54 : vector<16xi32>
      } {sc.loop_unroll_factor = 16 : i64, sc.parallel_access}
      "tpu.region"() ({
        %run_scoped3A = tpu.sem_alloc : memref<!tpu.dma_semaphore, #tpu.memory_space<semaphore_mem>>
        %dma_start3A_37 = arith.constant 0 : i32
        %dma_start3A_38 = tpu.memref_slice %arg5[%add3A, %dma_start3A_37] : memref<16x4096xi32, #tpu.memory_space<hbm>> -> memref<1x4096xi32, #tpu.memory_space<hbm>>
        %dma_start3A_39 = tpu.memref_squeeze %dma_start3A_38 : memref<1x4096xi32, #tpu.memory_space<hbm>> -> memref<4096xi32, #tpu.memory_space<hbm>>
        %dma_start3A_40 = arith.constant 0 : i32
        %dma_start3A_41 = tpu.memref_slice %arg5[%add3A, %dma_start3A_40] : memref<16x4096xi32, #tpu.memory_space<hbm>> -> memref<1x4096xi32, #tpu.memory_space<hbm>>
        %dma_start3A_42 = tpu.memref_squeeze %dma_start3A_41 : memref<1x4096xi32, #tpu.memory_space<hbm>> -> memref<4096xi32, #tpu.memory_space<hbm>>
        tpu.enqueue_dma source(%arg8 : memref<4096xi32, #tpu.memory_space<vmem>>) target(%dma_start3A_42 : memref<4096xi32, #tpu.memory_space<hbm>>) target_semaphore(%run_scoped3A : memref<!tpu.dma_semaphore, #tpu.memory_space<semaphore_mem>>)
        %dma_wait3A_43 = arith.constant 0 : i32
        %dma_wait3A_44 = tpu.memref_slice %arg5[%add3A, %dma_wait3A_43] : memref<16x4096xi32, #tpu.memory_space<hbm>> -> memref<1x4096xi32, #tpu.memory_space<hbm>>
        %dma_wait3A_45 = tpu.memref_squeeze %dma_wait3A_44 : memref<1x4096xi32, #tpu.memory_space<hbm>> -> memref<4096xi32, #tpu.memory_space<hbm>>
        %dma_wait3A_46 = arith.constant 0 : i32
        %dma_wait3A_47 = tpu.memref_slice %arg5[%add3A, %dma_wait3A_46] : memref<16x4096xi32, #tpu.memory_space<hbm>> -> memref<1x4096xi32, #tpu.memory_space<hbm>>
        %dma_wait3A_48 = tpu.memref_squeeze %dma_wait3A_47 : memref<1x4096xi32, #tpu.memory_space<hbm>> -> memref<4096xi32, #tpu.memory_space<hbm>>
        tpu.wait_dma2 semaphore(%run_scoped3A : memref<!tpu.dma_semaphore, #tpu.memory_space<semaphore_mem>>) src(%arg8 : memref<4096xi32, #tpu.memory_space<vmem>>) dst(%dma_wait3A_48 : memref<4096xi32, #tpu.memory_space<hbm>>)
        tpu.yield
      }) : () -> ()
    } else {
    }
    return
  }
}

</mosaic_0001>

<sc_bundles>
// kernel: kernel.3.cloned.1.call-start
scs
__scs_entry_jumppad:
0x0: {  	(pc) =	sbr.rel $0x88, $3  }
0x1: {  	(tag) =	ssettag $0x0;
	lr =	simm.s32 $0x1  }
0x2: {  	[smem:$0x3FA0] =	sst lr;
	_ =	strace $0xD0000000  }
0x3: {  	_ = 	snop  }
0x4: {  	_ = 	snop  }
0x5: {  	_ = 	snop  }
0x6: {  	_ = 	snop  }
0x7: {  	_ = 	snop  }
__scs_overlays_trampoline_lowered:
0x8: {  	[smem:$0x3FAF] =	sst s0  }
0x9: {  	[smem:$0x3FB0] =	sst s1  }
0xa: {  	[smem:$0x3FB1] =	sst s2  }
0xb: {  	[smem:$0x3FB2] =	sst s3  }
0xc: {  	[smem:$0x3FB3] =	sst s4  }
0xd: {  	[smem:$0x3FB4] =	sst s5  }
0xe: {  	[smem:$0x3FB5] =	sst s6  }
0xf: {  	[smem:$0x3FB6] =	sst s7  }
0x10: {  	[smem:$0x3FB7] =	sst s8  }
0x11: {  	[smem:$0x3FB8] =	sst s9;
	s0 =	simm.s32 @!p0 $0x0  }
0x12: {  	s1 =	sld [smem:$0x3F9E];
	s0 =	simm.s32 @p0 $0x1  }
0x13: {  	[smem:$0x3FB9] =	sst s0;
	s0 =	simm.s32 @!p1 $0x0  }
0x14: {  	s2 =	sld [smem:$0x3F9D];
	s0 =	simm.s32 @p1 $0x1  }
0x15: {  	[smem:$0x3FBA] =	sst s0;
	s0 =	simm.s32 @!p2 $0x0  }
0x16: {  	s3 =	sld [smem:$0x3FDB];
	s0 =	simm.s32 @p2 $0x1  }
0x17: {  	s4 =	simm.s32 $0x1BF5;
	[smem:$0x3FBC] =	sst s0  }
0x18: {  	s0 =	sld [smem:$0x3F9F];
	_ =	swait.ge [sflag:s4], $0x0  }
0x19: {  	s7 =	sld [smem:$0x3FA0]  }
0x1a: {  	s8 =	sadd.s32 $0xFFFFE003, lr  }
0x1b: {  	s9 =	sadd.s32 $0xFFFFFEF7, lr;
	s5 =	simm.s32 $0xFFFFFFFF;
	p2 =	slt.u32 s8, $0xFFFFF086  }
0x1c: {  	p1 =	slt.u32 s9, $0xF7A;
	s5 =	simm.s32 @!p2 $0x0  }
0x1d: {  	s5 =	simm.s32 @p1 $0x1;
	p0 =	seq.s32 s7, s2  }
0x1e: {  	s7 =	smul.u32 @!p0 $0xF7A, s2;
	p2 =	seq.s32 @!p0 s5, $0x0  }
0x1f: {  	s9 =	smul.u32 $0xF7A, s1;
	s8 =	simm.s32 @!p0 $0x1BF5;
	p2 =	por !p2, p0  }
0x20: {  	[sflag:s8] =	ssyncset.s32 @!p0 $0xFFFFF086;
	s6 =	sadd.s32 @!p0 s3, s7;
	s7 =	simm.s32 @!p0 $0x108  }
0x21: {  	s3 =	sadd.s32 s3, s9;
	s6 =	sadd.s32 @!p0 $0x88, s6;
	s7 =	simm.s32 @p2 $0x1082  }
0x22: {  	[simem:s7], [sflag:s8] =	dma.local @!p0 [hbm:s6], $0xF7A  }
0x23: {  	s9 =	sor.u32 $0xD0000000, s2;
	s6 =	simm.s32 $0x108;
	_ =	swait.ge @!p0 [sflag:s8], $0x0  }
0x24: {  	s3 =	sadd.s32 $0x88, s3;
	s6 =	simm.s32 @!p1 $0x1082;
	[sflag:s4] =	ssyncset.s32 $0xFFFFF086  }
0x25: {  	[simem:s6], [sflag:s4] =	dma.local [hbm:s3], $0xF7A  }
0x26: {  	[smem:$0x3FA0] =	sst s1;
	(tag) =	ssettag s2;
	_ =	strace s9  }
0x27: {  	s1 =	sld [smem:$0x3FB0]  }
0x28: {  	s2 =	sld [smem:$0x3FB1]  }
0x29: {  	s4 =	sld [smem:$0x3FB3]  }
0x2a: {  	p0 =	seq.s32 s5, $0x0;
	s5 =	sld [smem:$0x3FB4]  }
0x2b: {  	s6 =	sld [smem:$0x3FB5]  }
0x2c: {  	s7 =	sld [smem:$0x3FB6]  }
0x2d: {  	s3 =	simm.s32 $0x108;
	s8 =	sld [smem:$0x3FB7]  }
0x2e: {  	s3 =	simm.s32 @!p0 $0x1082;
	s9 =	sld [smem:$0x3FB8]  }
0x2f: {  	lr =	sadd.s32 s0, s3;
	s0 =	sld [smem:$0x3FAF]  }
0x30: {  	s3 =	sld [smem:$0x3FB2]  }
0x31: {  	[smem:$0x3FBB] =	sst s10  }
0x32: {  	s10 =	sld [smem:$0x3FB9];
	_ =	sdelay $0x3  }
0x33: {  	p0 =	seq.s32 s10, $0x1;
	s10 =	sld [smem:$0x3FBB];
	_ =	sdelay $0x3  }
0x34: {  	[smem:$0x3FBB] =	sst s10  }
0x35: {  	s10 =	sld [smem:$0x3FBA];
	_ =	sdelay $0x3  }
0x36: {  	p1 =	seq.s32 s10, $0x1;
	s10 =	sld [smem:$0x3FBB];
	_ =	sdelay $0x3  }
0x37: {  	[smem:$0x3FBB] =	sst s10  }
0x38: {  	s10 =	sld [smem:$0x3FBC]  }
0x39: {  	_ = 	snop;
	(pc) =	sbr.ind lr, $3  }
0x3a: {  	_ = 	snop  }
0x3b: {  	_ = 	snop  }
0x3c: {  	p2 =	seq.s32 s10, $0x1;
	s10 =	sld [smem:$0x3FBB]  }
0x3d: {  	_ =	shalt  }
0x3e: {  	_ =	shalt  }
0x3f: {  	_ =	shalt  }
0x40: {  	_ =	shalt  }
0x41: {  	_ =	shalt  }
0x42: {  	_ =	shalt  }
0x43: {  	_ =	shalt  }
0x44: {  	_ =	shalt  }
0x45: {  	_ =	shalt  }
0x46: {  	_ =	shalt  }
0x47: {  	_ =	shalt  }
0x48: {  	_ =	shalt  }
0x49: {  	_ =	shalt  }
0x4a: {  	_ =	shalt  }
0x4b: {  	_ =	shalt  }
0x4c: {  	_ =	shalt  }
0x4d: {  	_ =	shalt  }
0x4e: {  	_ =	shalt  }
0x4f: {  	_ =	shalt  }
0x50: {  	_ =	shalt  }
0x51: {  	_ =	shalt  }
0x52: {  	_ =	shalt  }
0x53: {  	_ =	shalt  }
0x54: {  	_ =	shalt  }
0x55: {  	_ =	shalt  }
0x56: {  	_ =	shalt  }
0x57: {  	_ =	shalt  }
0x58: {  	_ =	shalt  }
0x59: {  	_ =	shalt  }
0x5a: {  	_ =	shalt  }
0x5b: {  	_ =	shalt  }
0x5c: {  	_ =	shalt  }
0x5d: {  	_ =	shalt  }
0x5e: {  	_ =	shalt  }
0x5f: {  	_ =	shalt  }
0x60: {  	_ =	shalt  }
0x61: {  	_ =	shalt  }
0x62: {  	_ =	shalt  }
0x63: {  	_ =	shalt  }
0x64: {  	_ =	shalt  }
0x65: {  	_ =	shalt  }
0x66: {  	_ =	shalt  }
0x67: {  	_ =	shalt  }
0x68: {  	_ =	shalt  }
0x69: {  	_ =	shalt  }
0x6a: {  	_ =	shalt  }
0x6b: {  	_ =	shalt  }
0x6c: {  	_ =	shalt  }
0x6d: {  	_ =	shalt  }
0x6e: {  	_ =	shalt  }
0x6f: {  	_ =	shalt  }
0x70: {  	_ =	shalt  }
0x71: {  	_ =	shalt  }
0x72: {  	_ =	shalt  }
0x73: {  	_ =	shalt  }
0x74: {  	_ =	shalt  }
0x75: {  	_ =	shalt  }
0x76: {  	_ =	shalt  }
0x77: {  	_ =	shalt  }
0x78: {  	_ =	shalt  }
0x79: {  	_ =	shalt  }
0x7a: {  	_ =	shalt  }
0x7b: {  	_ =	shalt  }
0x7c: {  	_ =	shalt  }
0x7d: {  	_ =	shalt  }
0x7e: {  	_ =	shalt  }
0x7f: {  	_ =	shalt  }
0x80: {  	_ =	shalt  }
0x81: {  	_ =	shalt  }
0x82: {  	_ =	shalt  }
0x83: {  	_ =	shalt  }
0x84: {  	_ =	shalt  }
0x85: {  	_ =	shalt  }
0x86: {  	_ =	shalt  }
0x87: {  	_ =	shalt  }
.Lfunc_end0:
.L_simem_size_0:
called_computation_lowered:
.L_overlay_start_0:
0x88: {  	s2 =	sld [smem:$0x3FD9]  }
0x89: {  	s3 =	sld [smem:$0x3FFE];
	_ =	sdelay $0x1  }
0x8a: {  	s1 =	srdreg.scid  }
0x8b: {  	s0 =	sand.u32 $0x1, s1  }
0x8c: {  	s14 =	sshll.u32 s0, $0xA;
	s2 =	sadd.s32 s3, s2  }
0x8d: {  	s2 =	sadd.s32 s2, s14  }
0x8e: {  	[smem:$0x3FC7] =	sst s2  }
0x8f: {  	_ = 	snop  }
0x90: {  	s2 =	sld [smem:$0x3FD0];
	_ =	sdelay $0x2  }
0x91: {  	s4 =	simm.s32 $0xA;
	s5 =	simm.s32 $0x10;
	s15 =	sld [smem:$0x3FC9]  }
0x92: {  	[smem:s5], [sflag:s4] =	dma.local [hbm:s2], $0x1  }
0x93: {  	_ =	swait.eq [sflag:s4], $0x1  }
0x94: {  	[sflag:s4] =	ssyncset.done $0x0  }
0x95: {  	[sflag:s4] =	ssyncadd.s32 $0xFFFFFFFF  }
0x96: {  	s16 =	sld [smem:$0x10];
	(tm) =	ssettm $0x1  }
0x97: {  	s17 =	sld [smem:$0x3FFB];
	_ =	sdelay $0x3  }
0x98: {  	_ =	strace s17  }
0x99: {  	s4 =	sld [smem:$0x3FFC];
	_ =	sdelay $0x3  }
0x9a: {  	_ =	strace s4  }
0x9b: {  	s4 =	sld [smem:$0x3FFD];
	_ =	sdelay $0x3  }
0x9c: {  	_ =	strace s4  }
0x9d: {  	_ =	strace $0x8FFFFFFF  }
0x9e: {  	s18 =	sld [smem:$0x3FDB];
	_ =	sdelay $0x1  }
0x9f: {  	s19 =	simm.s32 $_scs_section_size  }
0xa0: {  	s6 =	simm.s32 $_size__tile_overlayer_lowered;
	s7 =	simm.s32 $_tile_overlayer_lowered  }
0xa1: {  	s22 =	simm.s32 $0x1BFF;
	s21 =	sshll.u32 s7, $0x1;
	s4 =	sadd.s32 s19, s18  }
0xa2: {  	s8 =	simm.s32 $0x0;
	s20 =	sshll.u32 s6, $0x1;
	s6 =	sadd.s32 s21, s4  }
0xa3: {  	[timem:s8], [sflag:s22] =	dma.local [hbm:s6], s20  }
0xa4: {  	_ =	swait.ge [sflag:s22], s20  }
0xa5: {  	s5 =	ssub.s32 $0x0, s20;
	[sflag:s22] =	ssyncset.done $0x0  }
0xa6: {  	[sflag:s22] =	ssyncadd.s32 s5;
	_ =	sdelay $0x1  }
0xa7: {  	s23 =	simm.s32 $0x1B8B  }
0xa8: {  	_ =	swait.ge [sflag:s23], $0x1  }
0xa9: {  	[sflag:s23] =	ssyncset.done $0x0  }
0xaa: {  	s25 =	simm.s32 $0x1B8E;
	s24 =	sld [smem:$0x3FFE];
	[sflag:s23] =	ssyncadd.s32 $0xFFFFFFFF  }
0xab: {  	s26 =	simm.s32 $execute0_lowered;
	[smem:$0x3FD2] =	sst s25  }
0xac: {  	s6 =	sshll.u32 s26, $0x1;
	_ =	strace $0x80000046;
	[dreg:$0x1] =	wrdreg $0xFFFFFFFF  }
0xad: {  	s28 =	simm.s32 $_size_execute0_lowered;
	s4 =	sadd.s32 s4, s6;
	[dreg:$0x0] =	wrdreg $0x0  }
0xae: {  	s6 =	sshll.u32 s28, $0x1;
	[dreg:$0x2] =	wrdreg s4  }
0xaf: {  	[dreg:$0x3] =	wrdreg s6  }
0xb0: {  	[dreg:$0x4] =	wrdreg $0xC0  }
0xb1: {  	_ =	task [dreg:s8], $0x5FFFF  }
0xb2: {  	[dreg:$0x1] =	wrdreg $0xFFFFFFFF  }
0xb3: {  	[dreg:$0x0] =	wrdreg $0x60  }
0xb4: {  	[dreg:$0x2] =	wrdreg s15  }
0xb5: {  	[dreg:$0x3] =	wrdreg s24  }
0xb6: {  	[dreg:$0x4] =	wrdreg s16  }
0xb7: {  	[dreg:$0x5] =	wrdreg $0x9  }
0xb8: {  	_ =	task.clear_ibuf [dreg:s8], $0x6FFFF;
	_ =	strace $0x90000046  }
0xb9: {  	s29 =	simm.s32 $0x9;
	_ =	strace $0x80000048  }
0xba: {  	_ =	swait.ge [sflag:s29], $0x1  }
0xbb: {  	[sflag:s29] =	ssyncadd.s32 $0xFFFFFFFF  }
0xbc: {  	_ =	strace $0x90000048  }
0xbd: {  	_ =	sfence  }
0xbe: {  	s30 =	sld [smem:$0x0];
	_ =	sdelay $0x2  }
0xbf: {  	s31 =	sshll.u32 s1, $0xD;
	s1 =	sshrl.u32 s1, $0x2  }
0xc0: {  	s3 =	sand.u32 $0x4000, s31;
	s1 =	sadd.s32 s1, s30  }
0xc1: {  	s0 =	sor.u32 s3, s0;
	s1 =	sshll.u32 s1, $0x11  }
0xc2: {  	s0 =	sor.u32 s1, s0  }
0xc3: {  	s0 =	sadd.s32 $0x8F2B, s0  }
0xc4: {  	[sflag:s0] =	ssyncadd.remote.s32 $0x1  }
0xc5: {  	_ =	sfence.sel $0xFFFF  }
0xc6: {  	[dreg:$0x0] =	wrdreg $0xFFFFFFFF;
	(pc) =	sbr.abs _section_cstart, $3  }
0xc7: {  	[dreg:$0x1] =	wrdreg $0xFFFFFFFF  }
0xc8: {  	_ =	task.clear_ibuf [dreg:s8], $0x2FFFF;
	_ =	strace $0x9FFFFFFF  }
0xc9: {  	(tm) =	ssettm $0x7FFFFFFF  }
tec
execute0_lowered:
.L_overlay_start_1:
0x0: {  	(tag) =	ssettag $0x1  }
0x1: {  	s1 =	stileid.u32  }
0x2: {  	p0 =	sgt.u32 s1, $0x7  }
.Ltmp0:
0x3: {  	s6 =	rddreg [dreg:$0x0];
	(pc) =	sbr.rel @p0 .LBB2_5-.Ltmp0, $4  }
0x4: {  	s3 =	rddreg [dreg:$0x1]  }
0x5: {  	s4 =	rddreg [dreg:$0x2];
	s2 =	simm.s32 $0x0  }
0x6: {  	[smem:$0x7FF] =	sst s2  }
0x7: {  	s0 =	rddreg [dreg:$0x3];
	_ =	strace $0x80000047  }
0x8: {  	s5 =	srdreg.scid;
	s7 =	sshll.u32 s1, $0x5  }
0x9: {  	s8 =	sshll.u32 s1, $0xA;
	s30 =	sadd.s32 $0x600, s3;
	s3 =	sadd.s32 $0x2600, s3  }
0xa: {  	s10 =	simm.s32 $0x2E40;
	s11 =	simm.s32 $0x1;
	s12 =	simm.s32 $0x2000  }
0xb: {  	s13 =	simm.s32 $0x80;
	s14 =	simm.s32 $0x2;
	s5 =	sand.u32 $0x1, s5  }
0xc: {  	s15 =	simm.s32 $0x0;
	s7 =	sand.u32 $0x60, s7;
	s9 =	sshll.u32 s5, $0x4  }
0xd: {  	s8 =	sand.u32 $0x1000, s8;
	s5 =	ssub.s32 $0x2, s5;
	s7 =	sor.u32 s9, s7  }
0xe: {  	s31 =	sshrl.u32 s5, $0x1;
	s9 =	simm.s32 $0x1000;
	s7 =	sor.u32 s8, s7  }
0xf: {  	s8 =	ssub.s32 s5, s31;
	s4 =	sadd.s32 s4, s7;
	s5 =	sadd.s32 s30, s7  }
0x10: {  	s6 =	sadd.s32 s6, s7;
	s7 =	smax.u32 s8, $0x1;
	s8 =	simm.s32 $0x400  }
.LBB2_2:
0x11: {  	[tilespmem:s2], [sflag:$0x1] =	stream.strided.gather [hbm4b:s6+s13], $0x1000, s8, s13, $0x38;
	[tilespmem:$0x3000] =	vst v63  }
0x12: {  	_ = 	snop  }
0x13: {  	[tilespmem:s9], [sflag:$0x1] =	stream.strided.gather [hbm4b:s5+s13], $0x1000, s8, s13, $0x38;
	[tilespmem:$0x3000] =	vst v63  }
0x14: {  	_ = 	snop  }
0x15: {  	[tilespmem:s10], [sflag:$0x1] =	stream.linear.gather [hbm4b:s3+s2], $0x1C0, $0x38;
	[tilespmem:$0x3000] =	vst v63  }
0x16: {  	_ =	swait.ge [sflag:s11], $0x1000  }
0x17: {  	[sflag:s11] =	ssyncset.done $0x0  }
0x18: {  	[sflag:s11] =	ssyncadd.s32 $0xFFFFF000  }
0x19: {  	_ =	swait.ge [sflag:s11], $0x1000  }
0x1a: {  	[sflag:s11] =	ssyncset.done $0x0  }
0x1b: {  	[sflag:s11] =	ssyncadd.s32 $0xFFFFF000  }
0x1c: {  	_ =	swait.ge [sflag:s11], $0x1C0  }
0x1d: {  	[sflag:s11] =	ssyncset.done $0x0  }
0x1e: {  	s16 =	simm.s32 $0x1080;
	[sflag:s11] =	ssyncadd.s32 $0xFFFFFE40  }
0x1f: {  	v0 =	vld [tilespmem:s16+$0x40]  }
0x20: {  	v1 =	vld [tilespmem:s16+$0xFFFFFF80]  }
0x21: {  	v4 =	vld [tilespmem:s16+$0xFFFFFF90]  }
0x22: {  	v5 =	vld [tilespmem:s16+$0xFFFFFFA0]  }
0x23: {  	v10 =	vld [tilespmem:s16+$0xFFFFFFB0]  }
0x24: {  	v7 =	vld [tilespmem:s16+$0xFFFFFFC0]  }
0x25: {  	v13 =	vld [tilespmem:s16+$0xFFFFFFD0]  }
0x26: {  	v16 =	vld [tilespmem:s16+$0xFFFFFFE0]  }
0x27: {  	v15 =	vld [tilespmem:s16+$0xFFFFFFF0]  }
0x28: {  	v19 =	vld [tilespmem:s16+$0x0];
	(xrf0) =	vadd.scan.msk.s32 $0xffff, v0  }
0x29: {  	v21 =	vld [tilespmem:s16+$0x10];
	vm12 =	vne.s32 v1, $0x0;
	(xrf0) =	vadd.scan.msk.s32 $0xffff, v1  }
0x2a: {  	v3 =	vimm.s32 $0x0;
	v9 =	vld [tilespmem:s16+$0x20];
	v2 =	vmpcnt.ones.xlane vm12;
	(xrf0) =	vadd.scan.msk.s32 $0xffff, v4  }
0x2b: {  	v11 =	vld [tilespmem:s16+$0x30];
	vm0 =	vne.s32 v4, $0x0;
	vm11 =	vne.s32 v5, $0x0;
	vm2 =	vne.s32 v10, $0x0;
	(xrf0) =	vadd.scan.msk.s32 $0xffff, v5  }
0x2c: {  	v25 =	vld [tilespmem:s13+$0xFFFFFFF0];
	v14 =	vsub.s32 v3, v1;
	vm3 =	vne.s32 v7, $0x0;
	v8 =	vadd.s32 v3, v2;
	(xrf0) =	vadd.scan.msk.s32 $0xffff, v7  }
0x2d: {  	vm4 =	vne.s32 v13, $0x0;
	vm9 =	vne.s32 v16, $0x0;
	v6 =	vmpcnt.ones.xlane vm0;
	v2 =	vld [tilespmem:s16+$0x50];
	(xrf0) =	vadd.scan.msk.s32 $0xffff, v13  }
0x2e: {  	v34 =	vld [tilespmem:s13+$0xFFFFFFA0];
	vm13 =	vne.s32 v15, $0x0;
	vm7 =	vne.s32 v19, $0x0;
	vm1 =	vne.s32 v21, $0x0;
	v3, _, _ =	vpop (xrf0);
	(xrf0) =	vadd.scan.msk.s32 $0xffff, v16  }
0x2f: {  	v39 =	vld [tilespmem:s13+$0xFFFFFF90];
	v12 =	vmpcnt.ones.xlane vm11;
	v17 =	vadd.s32 v8, v6;
	v20 =	vsub.s32 v8, v4;
	v8, _, _ =	vpop (xrf0);
	(xrf0) =	vadd.scan.msk.s32 $0xffff, v15  }
0x30: {  	vm10 =	vne.s32 v9, $0x0;
	v1 =	vld [tilespmem:s13+$0x70];
	v18 =	vmpcnt.ones.xlane vm4;
	v26 =	vmpcnt.ones.xlane vm3;
	v24, _, _ =	vpop (xrf0);
	(xrf0) =	vadd.scan.msk.s32 $0xffff, v19  }
0x31: {  	v6 =	vmpcnt.ones.xlane vm2;
	v22 =	vadd.s32 v17, v12;
	v17 =	vsub.s32 v17, v5;
	v5 =	vld [tilespmem:s16+$0x60];
	v28, _, _ =	vpop (xrf0)  }
0x32: {  	vm6 =	vne.s32 v11, $0x0;
	v27 =	vmpcnt.ones.xlane vm13;
	v29 =	vmpcnt.ones.xlane vm9;
	v4 =	vld [tilespmem:s16+$0x70];
	(xrf0) =	vadd.scan.msk.s32 $0xffff, v2;
	v37, _, _ =	vpop (xrf0)  }
0x33: {  	v35 =	vmpcnt.ones.xlane vm7;
	v40 =	vmpcnt.ones.xlane vm1;
	v12 =	vld [tilespmem:s13+$0xFFFFFF80];
	v23 =	vadd.s32 v22, v6;
	(xrf0) =	vadd.scan.msk.s32 $0xffff, v21;
	v32, _, _ =	vpop (xrf0)  }
0x34: {  	v41 =	vmpcnt.ones.xlane vm10;
	v42 =	vmpcnt.ones.xlane vm6;
	v6 =	vld [tilespmem:s13+$0xFFFFFFE0];
	v22 =	vsub.s32 v22, v10;
	(xrf0) =	vadd.scan.msk.s32 $0xffff, v10;
	v30, _, _ =	vpop (xrf0)  }
0x35: {  	v33 =	vsub.s32 v23, v7;
	v7 =	vld [tilespmem:s13+$0x0];
	v26 =	vadd.s32 v23, v26;
	v36 =	vadd.s32 v24, v20;
	(xrf0) =	vadd.scan.msk.s32 $0xffff, v11;
	v31, _, _ =	vpop (xrf0)  }
0x36: {  	v8 =	vadd.s32 v8, v14;
	v14 =	vld [tilespmem:s13+$0x20];
	v17 =	vadd.s32 v28, v17;
	v28 =	vadd.s32 v26, v18;
	v23, _, _ =	vpop (xrf0);
	(xrf0) =	vadd.scan.msk.s32 $0xffff, v5  }
0x37: {  	vm5 =	vne.s32 v2, $0x0;
	vm14 =	vne.s32 v4, $0x0;
	v18 =	vld [tilespmem:s13+$0x40];
	v29 =	vadd.s32 v28, v29;
	(xrf0) =	vadd.scan.msk.s32 $0xffff, v4  }
0x38: {  	v24 =	vmpcnt.ones.xlane vm5;
	v26 =	vsub.s32 v26, v13;
	v10 =	vld [tilespmem:s13+$0x10];
	v13 =	vsub.s32 v29, v15;
	v15, _, _ =	vpop (xrf0);
	(xrf0) =	vadd.scan.msk.s32 $0xffff, v9  }
0x39: {  	v16 =	vsub.s32 v28, v16;
	v37 =	vadd.s32 v37, v33;
	v43 =	vadd.s32 v31, v13;
	v13 =	vld [tilespmem:s13+$0x30];
	v20, _, _ =	vpop (xrf0)  }
0x3a: {  	vm8 =	vne.s32 v5, $0x0;
	v27 =	vadd.s32 v29, v27;
	v32 =	vadd.s32 v32, v26;
	[tilespmem:v36+s12+$0x0] =	vst.idx.msk vm0, v39;
	v36 =	vld [tilespmem:s13+$0xFFFFFFC0];
	v28, _, _ =	vpop (xrf0)  }
0x3b: {  	v26 =	vmpcnt.ones.xlane vm8;
	[tilespmem:v17+s12+$0x0] =	vst.idx.msk vm11, v34;
	v17 =	vadd.s32 v30, v16;
	v34 =	vld [tilespmem:s13+$0xFFFFFFB0];
	v16 =	vadd.s32 v27, v35;
	v30, _, _ =	vpop (xrf0)  }
0x3c: {  	v38 =	vsub.s32 v27, v19;
	v39 =	vsub.s32 v16, v21;
	v19 =	vadd.s32 v16, v40;
	v16 =	vld [tilespmem:s13+$0x50];
	v29, _, _ =	vpop (xrf0)  }
0x3d: {  	v21 =	vadd.s32 v19, v41;
	v31 =	vadd.s32 v28, v22;
	v22 =	vld [tilespmem:s13+$0xFFFFFFD0];
	v28 =	vsub.s32 v19, v9;
	v27, _, _ =	vpop (xrf0)  }
0x3e: {  	s17 =	simm.s32 $0x1180;
	s18 =	simm.s32 $0x80;
	s16 =	simm.s32 $0x0;
	v35 =	vmpcnt.ones.xlane vm14;
	v40 =	vsub.s32 v21, v11;
	v21 =	vadd.s32 v21, v42;
	[tilespmem:v43+s12+$0x0] =	vst.idx.msk vm13, v25;
	v25 =	vld [tilespmem:s13+$0x60];
	v33, _, _ =	vpop (xrf0)  }
.LBB2_3:
0x3f: {  	vm0 =	vmmov vm10;
	[tilespmem:v8+s12+$0x0] =	vst.idx.msk vm12, v12;
	v8 =	vimm.s32 $0x0  }
0x40: {  	v8 =	vsel vm0, $0xFFFFFFFF, v8  }
0x41: {  	v19 =	vld [tilespmem:s17+$0x40];
	vm0 =	vmmov vm14;
	[tilespmem:$0x1FFE0] =	vst v8;
	v8 =	vimm.s32 $0x0  }
0x42: {  	vm13 =	vne.s32 v0, $0x0;
	[tilespmem:v17+s12+$0x0] =	vst.idx.msk vm9, v6;
	v17 =	vmov v14;
	v14 =	vld [tilespmem:s17+$0xFFFFFF90];
	v8 =	vsel vm0, $0xFFFFFFFF, v8  }
0x43: {  	v6 =	vadd.s32 v23, v38;
	v23 =	vadd.s32 v20, v39;
	v20 =	vmovc v18;
	v18 =	vld [tilespmem:s17+$0xFFFFFFA0];
	[tilespmem:$0x1FFF0] =	vst v8;
	v8 =	vmpcnt.ones.xlane vm13  }
0x44: {  	v30 =	vadd.s32 v30, v40;
	v12 =	vld [tilespmem:s17+$0xFFFFFF80]  }
0x45: {  	v9 =	vld [tilespmem:s17+$0x20];
	v0 =	vsub.s32 v21, v0;
	[tilespmem:v31+s12+$0x0] =	vst.idx.msk vm2, v34;
	v8 =	vadd.s32 v21, v8  }
0x46: {  	v11 =	vld [tilespmem:s17+$0x30];
	[tilespmem:v37+s12+$0x0] =	vst.idx.msk vm3, v36;
	v2 =	vsub.s32 v8, v2;
	v8 =	vadd.s32 v8, v24  }
0x47: {  	v3 =	vadd.s32 v3, v0;
	[tilespmem:v32+s12+$0x0] =	vst.idx.msk vm4, v22;
	v22 =	vld [tilespmem:s17+$0xFFFFFFB0];
	v5 =	vsub.s32 v8, v5  }
0x48: {  	[tilespmem:v6+s12+$0x0] =	vst.idx.msk vm7, v7;
	v7 =	vld [tilespmem:s17+$0xFFFFFFC0];
	vm15 =	vne.s32 v14, $0x0;
	v6 =	vadd.s32 v8, v26;
	v5 =	vadd.s32 v29, v5  }
0x49: {  	s18 =	sadd.s32 $0x100, s18;
	v54 =	vld [tilespmem:s17+$0x10];
	(xrf0) =	vadd.scan.msk.s32 $0xffff, v19;
	vm0 =	vne.s32 v18, $0x0;
	vm12 =	vne.s32 v12, $0x0;
	v4 =	vsub.s32 v6, v4  }
0x4a: {  	v55 =	vld [tilespmem:s18+$0x70];
	[tilespmem:v30+s12+$0x0] =	vst.idx.msk vm6, v13;
	v6 =	vadd.s32 v6, v35;
	v26 =	vadd.s32 v27, v4;
	v4 =	vmpcnt.ones.xlane vm12  }
0x4b: {  	(xrf0) =	vadd.scan.msk.s32 $0xffff, v12;
	v24 =	vld [tilespmem:s17+$0xFFFFFFD0];
	v8 =	vsub.s32 v6, v12;
	v12 =	vadd.s32 v15, v2;
	v2 =	vmpcnt.ones.xlane vm15  }
0x4c: {  	vm2 =	vne.s32 v22, $0x0;
	(xrf0) =	vadd.scan.msk.s32 $0xffff, v14;
	v29 =	vld [tilespmem:s17+$0x0];
	v4 =	vadd.s32 v6, v4;
	v6 =	vmpcnt.ones.xlane vm0  }
0x4d: {  	v27 =	vld [tilespmem:s17+$0xFFFFFFE0];
	vm3 =	vne.s32 v7, $0x0;
	v13 =	vadd.s32 v4, v2;
	[tilespmem:v5+s12+$0x0] =	vst.idx.msk vm8, v25;
	v5 =	vmpcnt.ones.xlane vm2  }
0x4e: {  	(xrf0) =	vadd.scan.msk.s32 $0xffff, v18;
	v15 =	vld [tilespmem:s17+$0xFFFFFFF0];
	v25 =	vadd.s32 v13, v6;
	v13 =	vsub.s32 v13, v18;
	v18 =	vmpcnt.ones.xlane vm3  }
0x4f: {  	[tilespmem:v23+s12+$0x0] =	vst.idx.msk vm1, v10;
	(xrf0) =	vadd.scan.msk.s32 $0xffff, v7;
	v2 =	vld [tilespmem:s17+$0x50];
	v10 =	vadd.s32 v25, v5  }
0x50: {  	(xrf0) =	vadd.scan.msk.s32 $0xffff, v24;
	v0 =	vadd.s32 v10, v18;
	v18 =	vld [tilespmem:s18+$0x40]  }
0x51: {  	v28 =	vadd.s32 v33, v28;
	vm10 =	vne.s32 v9, $0x0;
	v30, _, _ =	vpop (xrf0);
	[tilespmem:v3+s12+$0x0] =	vst.idx.msk vm13, v20;
	v3 =	vld [tilespmem:$0x1FFE0]  }
0x52: {  	v41 =	vld [tilespmem:s18+$0xFFFFFFF0];
	vm6 =	vne.s32 v11, $0x0;
	v44 =	vmpcnt.ones.xlane vm10;
	v31 =	vsub.s32 v4, v14;
	v4, _, _ =	vpop (xrf0);
	(xrf0) =	vadd.scan.msk.s32 $0xffff, v27  }
0x53: {  	v43 =	vld [tilespmem:s18+$0xFFFFFFA0];
	v46 =	vmpcnt.ones.xlane vm6;
	vm1 =	vne.s32 v54, $0x0;
	vm4 =	vne.s32 v24, $0x0;
	v56, _, _ =	vpop (xrf0);
	(xrf0) =	vadd.scan.msk.s32 $0xffff, v15  }
0x54: {  	v34 =	vld [tilespmem:s18+$0xFFFFFFB0];
	v42 =	vmpcnt.ones.xlane vm1;
	v14 =	vmpcnt.ones.xlane vm4;
	vm7 =	vne.s32 v29, $0x0;
	v23, _, _ =	vpop (xrf0);
	(xrf0) =	vadd.scan.msk.s32 $0xffff, v29  }
0x55: {  	vm9 =	vne.s32 v27, $0x0;
	vm11 =	vne.s32 v15, $0x0;
	[tilespmem:v12+s12+$0x0] =	vst.idx.msk vm5, v16;
	v5 =	vld [tilespmem:s17+$0x60];
	v16, _, _ =	vpop (xrf0);
	(xrf0) =	vadd.scan.msk.s32 $0xffff, v2  }
0x56: {  	v59 =	vmpcnt.ones.xlane vm9;
	v8 =	vadd.s32 v4, v8;
	v4 =	vld [tilespmem:s17+$0x70];
	v60, _, _ =	vpop (xrf0);
	(xrf0) =	vadd.scan.msk.s32 $0xffff, v54;
	vm13 =	vnez.u8 v3  }
0x57: {  	v21 =	vmpcnt.ones.xlane vm7;
	v58 =	vsub.s32 v10, v7;
	v10 =	vadd.s32 v0, v14;
	v3 =	vld [tilespmem:$0x1FFF0]  }
0x58: {  	v36 =	vld [tilespmem:s18+$0xFFFFFFC0];
	v45 =	vadd.s32 v56, v31;
	v62 =	vadd.s32 v23, v13;
	v35 =	vadd.s32 v10, v59;
	(xrf0) =	vadd.scan.msk.s32 $0xffff, v22;
	v61, _, _ =	vpop (xrf0)  }
0x59: {  	v63 =	vsub.s32 v0, v24;
	v0 =	vmov v19;
	v19 =	vld [tilespmem:s18+$0xFFFFFF90];
	v31 =	vsub.s32 v35, v15;
	v13, _, _ =	vpop (xrf0);
	(xrf0) =	vadd.scan.msk.s32 $0xffff, v11  }
0x5a: {  	v6 =	vld [tilespmem:s18+$0xFFFFFFE0];
	v57 =	vmpcnt.ones.xlane vm11;
	vm5 =	vne.s32 v2, $0x0;
	v23, _, _ =	vpop (xrf0);
	(xrf0) =	vadd.scan.msk.s32 $0xffff, v5;
	v47 =	vadd.s32 v13, v31  }
0x5b: {  	v12 =	vld [tilespmem:s18+$0xFFFFFF80];
	v24 =	vmpcnt.ones.xlane vm5;
	v27 =	vsub.s32 v10, v27;
	v37 =	vadd.s32 v16, v58;
	(xrf0) =	vadd.scan.msk.s32 $0xffff, v4;
	v15, _, _ =	vpop (xrf0)  }
0x5c: {  	s16 =	sadd.s32 $0x10, s16;
	v14 =	vld [tilespmem:s18+$0x20];
	v32 =	vadd.s32 v60, v63;
	v20, _, _ =	vpop (xrf0);
	(xrf0) =	vadd.scan.msk.s32 $0xffff, v9;
	[tilespmem:v28+s12+$0x0] =	vst.idx.msk vm13, v17;
	vm13 =	vnez.u8 v3  }
0x5d: {  	p0 =	slt.u32 s16, $0xF0;
	v7 =	vld [tilespmem:s18+$0x0];
	vm8 =	vne.s32 v5, $0x0;
	[tilespmem:v62+s12+$0x0] =	vst.idx.msk vm0, v43;
	v17 =	vsub.s32 v25, v22;
	v25 =	vadd.s32 v35, v57  }
.Ltmp1:
0x5e: {  	v10 =	vld [tilespmem:s18+$0x10];
	vm14 =	vne.s32 v4, $0x0;
	[tilespmem:v45+s12+$0x0] =	vst.idx.msk vm15, v19;
	v22, _, _ =	vpop (xrf0);
	v38 =	vsub.s32 v25, v29;
	v25 =	vadd.s32 v25, v21;
	(pc) =	sbr.rel @p0 .LBB2_3-.Ltmp1, $4  }
0x5f: {  	v16 =	vld [tilespmem:s18+$0x50];
	v3 =	vmov v30;
	v35 =	vmpcnt.ones.xlane vm14;
	[tilespmem:v47+s12+$0x0] =	vst.idx.msk vm11, v41;
	v30, _, _ =	vpop (xrf0);
	v19 =	vadd.s32 v25, v42  }
0x60: {  	v13 =	vld [tilespmem:s18+$0x30];
	v31 =	vadd.s32 v22, v17;
	v17 =	vadd.s32 v61, v27;
	v29, _, _ =	vpop (xrf0);
	v21 =	vadd.s32 v19, v44  }
0x61: {  	v22 =	vld [tilespmem:s18+$0xFFFFFFD0];
	v39 =	vsub.s32 v25, v54;
	v27, _, _ =	vpop (xrf0);
	v28 =	vsub.s32 v19, v9;
	v40 =	vsub.s32 v21, v11  }
0x62: {  	s17 =	sadd.s32 $0x100, s17;
	v25 =	vld [tilespmem:s18+$0x60];
	v21 =	vadd.s32 v21, v46;
	v33, _, _ =	vpop (xrf0);
	[tilespmem:v26+s12+$0x0] =	vst.idx.msk vm13, v1;
	v26 =	vmpcnt.ones.xlane vm8;
	v1 =	vmov v55  }
0x63: {  	_ =	sdelay $0x4  }
0x64: {  	vm0 =	vne.s32 v0, $0x0;
	[tilespmem:v17+s12+$0x0] =	vst.idx.msk vm9, v6  }
0x65: {  	v57 =	vadd.s32 v23, v38;
	[tilespmem:v8+s12+$0x0] =	vst.idx.msk vm12, v12;
	v9 =	vmpcnt.ones.xlane vm0  }
0x66: {  	v58 =	vadd.s32 v30, v40;
	[tilespmem:v31+s12+$0x0] =	vst.idx.msk vm2, v34;
	v59 =	vadd.s32 v20, v39  }
0x67: {  	[tilespmem:v37+s12+$0x0] =	vst.idx.msk vm3, v36;
	v60 =	vsub.s32 v21, v0;
	v9 =	vadd.s32 v21, v9  }
0x68: {  	v63 =	vadd.s32 v33, v28;
	v0 =	vadd.s32 v3, v60;
	v11 =	vadd.s32 v9, v24  }
0x69: {  	[tilespmem:v32+s12+$0x0] =	vst.idx.msk vm4, v22;
	v2 =	vsub.s32 v9, v2;
	v5 =	vsub.s32 v11, v5  }
0x6a: {  	v2 =	vadd.s32 v15, v2;
	[tilespmem:v57+s12+$0x0] =	vst.idx.msk vm7, v7;
	v61 =	vadd.s32 v11, v26  }
0x6b: {  	[tilespmem:v58+s12+$0x0] =	vst.idx.msk vm6, v13;
	v5 =	vadd.s32 v29, v5;
	v62 =	vsub.s32 v61, v4  }
0x6c: {  	[tilespmem:v59+s12+$0x0] =	vst.idx.msk vm1, v10;
	v3 =	vadd.s32 v27, v62  }
0x6d: {  	[tilespmem:v63+s12+$0x0] =	vst.idx.msk vm10, v14  }
0x6e: {  	[tilespmem:v0+s12+$0x0] =	vst.idx.msk vm0, v18  }
0x6f: {  	s15 =	sadd.s32 $0x1, s15;
	[tilespmem:v2+s12+$0x0] =	vst.idx.msk vm5, v16  }
0x70: {  	p0 =	sne.s32 s15, s7;
	[tilespmem:v5+s12+$0x0] =	vst.idx.msk vm8, v25  }
.Ltmp2:
0x71: {  	[tilespmem:v3+s12+$0x0] =	vst.idx.msk vm14, v1;
	(pc) =	sbr.rel @p0 .LBB2_2-.Ltmp2, $4  }
0x72: {  	[hbm4b:s4+s13] =	stream.strided.scatter [tilespmem:s12], [sflag:$0x2], $0x1000, s8, s13, $0x38;
	[tilespmem:$0x3000] =	vst v63  }
0x73: {  	_ =	swait.ge [sflag:s14], $0x1000  }
0x74: {  	[sflag:s14] =	ssyncset.done $0x0  }
0x75: {  	vm13 =	vmmov vm10;
	vm15 =	vmmov vm14;
	[sflag:s14] =	ssyncadd.s32 $0xFFFFF000  }
.LBB2_5:
0x76: {  	_ =	sfence.sel $0x180000  }
0x77: {  	[bflag:$0x0] =	sbarrier.arrive $0xFFFF  }
0x78: {  	p0 =	sne.s32 s1, $0x0;
	_ =	strace $0x90000047  }
0x79: {  	s0 =	sadd.s32 @!p0 $0x100000, s0;
	[bflag:$0x2] =	sbarrier.arrive $0xFFFF  }
0x7a: {  	[sflag:s0] =	ssyncadd.tile.s32 @!p0 $0x1;
	_ =	shalt  }
.Lfunc_end2:
_tile_overlayer_lowered:
.L_overlay_start_2:
0x7b: {  	(tag) =	ssettag $0x2  }
0x7c: {  	s0 =	rddreg [dreg:$0x0];
	s2 =	stileid.u32  }
0x7d: {  	s1 =	rddreg [dreg:$0x1];
	p0 =	sne.s32 s2, $0x0  }
0x7e: {  	s3 =	rddreg [dreg:$0x2];
	[bflag:$0x3] =	sbarrier.arrive $0xFFFF;
	s2 =	simm.s32 @!p0 $0x1C02  }
0x7f: {  	[timem:s3], [sflag:s2] =	dma.local @!p0 [hbm:s0], s1  }
0x80: {  	s0 =	simm.s32 @!p0 $0x2  }
0x81: {  	_ =	swait.ge @!p0 [sflag:s0], s1  }
0x82: {  	s1 =	ssub.s32 @!p0 $0x0, s1;
	[sflag:s0] =	ssyncset.done @!p0 $0x0  }
0x83: {  	[sflag:s0] =	ssyncadd.s32 @!p0 s1  }
0x84: {  	[bflag:$0x3] =	sbarrier.arrive $0xFFFF  }
0x85: {  	_ =	shalt  }

</sc_bundles>
